<compile_context>
chip_gen: v7x
topology: tpu7x:2x2x1
jax: 0.10.2.dev20260603
libtpu: 0.0.44.dev20260713+nightly
codegen_flags: <defaults>
</compile_context>

<pallas_src>
import functools

import jax
import jax.numpy as jnp
from jax.experimental import pallas as pl

B, N, S = 8, 4096, 1024
C1, C2 = 256, 512
CO = 256
TN = 512
_CNT = float(B * N)
_HI = jax.lax.Precision.HIGHEST


def _k0(p2t_ref, w1bt_ref, wp2_ref):
    wp2_ref[0] = jnp.dot(p2t_ref[0], w1bt_ref[...], precision=_HI,
                         preferred_element_type=jnp.float32)


def _ka(x1_ref, x2_ref, p1_ref, wp2_ref, w1at_ref, b1_ref,
        h1_ref, s_ref, ss_ref):
    b = pl.program_id(0)
    nt = pl.program_id(1)

    x1 = x1_ref[0]
    x2 = x2_ref[0]
    d0 = jnp.dot(x1.astype(jnp.bfloat16), x2.astype(jnp.bfloat16),
                 preferred_element_type=jnp.float32)
    n1 = jnp.sum(x1 * x1, axis=1, keepdims=True)
    n2 = jnp.sum(x2 * x2, axis=0, keepdims=True)
    dist = d0 * (-2.0) + n1 + n2

    bits = jax.lax.bitcast_convert_type(dist, jnp.int32)
    sgn = jnp.bitwise_and(jnp.right_shift(bits, 31), jnp.int32(0x7FFFFFFF))
    kb = jnp.bitwise_xor(bits, sgn)
    lane = jax.lax.broadcasted_iota(jnp.int32, dist.shape, 1)
    keys0 = jnp.bitwise_or(jnp.bitwise_and(kb, jnp.int32(-1024)), lane)

    keys = keys0
    big = jnp.int32(2**31 - 1)
    bigf = jnp.float32(3.0e38)
    ms, dv = [], []
    for _ in range(3):
        m = jnp.min(keys, axis=1, keepdims=True)
        ms.append(m)
        eq = keys0 == m
        dv.append(jnp.min(jnp.where(eq, dist, bigf), axis=1, keepdims=True))
        keys = jnp.where(eq, big, keys)
    w = [1.0 / (d + 1e-8) for d in dv]
    wtot = w[0] + w[1] + w[2]
    wn = [wi / wtot for wi in w]
    wmat = (jnp.where(keys0 == ms[0], wn[0], 0.0)
            + jnp.where(keys0 == ms[1], wn[1], 0.0)
            + jnp.where(keys0 == ms[2], wn[2], 0.0))

    bf16 = jnp.bfloat16
    h = (jnp.dot(wmat.astype(bf16), wp2_ref[0].astype(bf16),
                 preferred_element_type=jnp.float32)
         + jnp.dot(p1_ref[0].astype(bf16), w1at_ref[...].astype(bf16),
                   preferred_element_type=jnp.float32)
         + b1_ref[...])
    h1_ref[0] = h

    @pl.when((b == 0) & (nt == 0))
    def _():
        s_ref[...] = jnp.zeros_like(s_ref)
        ss_ref[...] = jnp.zeros_like(ss_ref)

    hr = h.reshape(TN // 8, 8, CO)
    s_ref[...] += jnp.sum(hr, axis=0)
    ss_ref[...] += jnp.sum(hr * hr, axis=0)


def _kb(h1_ref, s_ref, ss_ref, g1_ref, be1_ref, w2t_ref, b2_ref,
        h2_ref, s2_ref, ss2_ref):
    b = pl.program_id(0)
    nt = pl.program_id(1)
    mean = jnp.sum(s_ref[...], axis=0, keepdims=True) * (1.0 / _CNT)
    var = (jnp.sum(ss_ref[...], axis=0, keepdims=True) * (1.0 / _CNT)
           - mean * mean)
    scale = g1_ref[...] * jax.lax.rsqrt(var + 1e-5)
    shift = be1_ref[...] - mean * scale
    a = jnp.maximum(h1_ref[0] * scale + shift, 0.0)
    h2 = jnp.dot(a.astype(jnp.bfloat16), w2t_ref[...].astype(jnp.bfloat16),
                 preferred_element_type=jnp.float32) + b2_ref[...]
    h2_ref[0] = h2

    @pl.when((b == 0) & (nt == 0))
    def _():
        s2_ref[...] = jnp.zeros_like(s2_ref)
        ss2_ref[...] = jnp.zeros_like(ss2_ref)

    h2r = h2.reshape(TN // 8, 8, CO)
    s2_ref[...] += jnp.sum(h2r, axis=0)
    ss2_ref[...] += jnp.sum(h2r * h2r, axis=0)


def _kc(h2_ref, s_ref, ss_ref, g2_ref, be2_ref, o_ref):
    mean = jnp.sum(s_ref[...], axis=0, keepdims=True) * (1.0 / _CNT)
    var = (jnp.sum(ss_ref[...], axis=0, keepdims=True) * (1.0 / _CNT)
           - mean * mean)
    scale = g2_ref[...] * jax.lax.rsqrt(var + 1e-5)
    shift = be2_ref[...] - mean * scale
    o_ref[0] = jnp.maximum(h2_ref[0] * scale + shift, 0.0)


def kernel(xyz1, xyz2, points1, points2, W1, b1, g1, be1, W2, b2, g2, be2):
    f32 = jnp.float32
    nt = N // TN

    x1t = jnp.concatenate(
        [jnp.transpose(xyz1, (0, 2, 1)), jnp.zeros((B, N, 5), f32)], axis=-1)
    x2p = jnp.concatenate([xyz2, jnp.zeros((B, 5, S), f32)], axis=1)
    p1t = jnp.transpose(points1, (0, 2, 1))
    p2t = jnp.transpose(points2, (0, 2, 1))
    w1at = jnp.transpose(W1[:, :C1])
    w1bt = jnp.transpose(W1[:, C1:])
    w2t = jnp.transpose(W2)
    b1r, g1r, be1r = b1[None, :], g1[None, :], be1[None, :]
    b2r, g2r, be2r = b2[None, :], g2[None, :], be2[None, :]

    wp2 = pl.pallas_call(
        _k0,
        grid=(B,),
        in_specs=[
            pl.BlockSpec((1, S, C2), lambda b: (b, 0, 0)),
            pl.BlockSpec((C2, CO), lambda b: (0, 0)),
        ],
        out_specs=pl.BlockSpec((1, S, CO), lambda b: (b, 0, 0)),
        out_shape=jax.ShapeDtypeStruct((B, S, CO), f32),
    )(p2t, w1bt)

    h1, s1, ss1 = pl.pallas_call(
        _ka,
        grid=(B, nt),
        in_specs=[
            pl.BlockSpec((1, TN, 8), lambda b, i: (b, i, 0)),
            pl.BlockSpec((1, 8, S), lambda b, i: (b, 0, 0)),
            pl.BlockSpec((1, TN, C1), lambda b, i: (b, i, 0)),
            pl.BlockSpec((1, S, CO), lambda b, i: (b, 0, 0)),
            pl.BlockSpec((C1, CO), lambda b, i: (0, 0)),
            pl.BlockSpec((1, CO), lambda b, i: (0, 0)),
        ],
        out_specs=[
            pl.BlockSpec((1, TN, CO), lambda b, i: (b, i, 0)),
            pl.BlockSpec((8, CO), lambda b, i: (0, 0)),
            pl.BlockSpec((8, CO), lambda b, i: (0, 0)),
        ],
        out_shape=[
            jax.ShapeDtypeStruct((B, N, CO), f32),
            jax.ShapeDtypeStruct((8, CO), f32),
            jax.ShapeDtypeStruct((8, CO), f32),
        ],
    )(x1t, x2p, p1t, wp2, w1at, b1r)

    h2, s2, ss2 = pl.pallas_call(
        _kb,
        grid=(B, nt),
        in_specs=[
            pl.BlockSpec((1, TN, CO), lambda b, i: (b, i, 0)),
            pl.BlockSpec((8, CO), lambda b, i: (0, 0)),
            pl.BlockSpec((8, CO), lambda b, i: (0, 0)),
            pl.BlockSpec((1, CO), lambda b, i: (0, 0)),
            pl.BlockSpec((1, CO), lambda b, i: (0, 0)),
            pl.BlockSpec((CO, CO), lambda b, i: (0, 0)),
            pl.BlockSpec((1, CO), lambda b, i: (0, 0)),
        ],
        out_specs=[
            pl.BlockSpec((1, TN, CO), lambda b, i: (b, i, 0)),
            pl.BlockSpec((8, CO), lambda b, i: (0, 0)),
            pl.BlockSpec((8, CO), lambda b, i: (0, 0)),
        ],
        out_shape=[
            jax.ShapeDtypeStruct((B, N, CO), f32),
            jax.ShapeDtypeStruct((8, CO), f32),
            jax.ShapeDtypeStruct((8, CO), f32),
        ],
    )(h1, s1, ss1, g1r, be1r, w2t, b2r)

    out_nm = pl.pallas_call(
        _kc,
        grid=(B, nt),
        in_specs=[
            pl.BlockSpec((1, TN, CO), lambda b, i: (b, i, 0)),
            pl.BlockSpec((8, CO), lambda b, i: (0, 0)),
            pl.BlockSpec((8, CO), lambda b, i: (0, 0)),
            pl.BlockSpec((1, CO), lambda b, i: (0, 0)),
            pl.BlockSpec((1, CO), lambda b, i: (0, 0)),
        ],
        out_specs=pl.BlockSpec((1, TN, CO), lambda b, i: (b, i, 0)),
        out_shape=jax.ShapeDtypeStruct((B, N, CO), f32),
    )(h2, s2, ss2, g2r, be2r)

    return jnp.transpose(out_nm, (0, 2, 1))

# --- scband reference (transcript-rebuilt; emitter-appended) ---
"""Pipeline reference for scband-point-net-feature-propagation5-53154515256140 (READ-ONLY COPY).

The authoritative reference and input builder live on the scoring server;
editing this copy changes nothing except your own understanding.
"""

import jax, jax.numpy as jnp
import numpy as np

B, N, S = 8, 4096, 1024
C1, C2 = 256, 512
IN_CH = C1 + C2
MLP = [256, 256]


def setup_inputs(seed: int = 0) -> dict:
    key = jax.random.key(seed)
    ks = jax.random.split(key, 12)
    inp = {
        "xyz1": jax.random.normal(ks[0], (B, 3, N), dtype=jnp.float32),
        "xyz2": jax.random.normal(ks[1], (B, 3, S), dtype=jnp.float32),
        "points1": jax.random.normal(ks[2], (B, C1, N), dtype=jnp.float32),
        "points2": jax.random.normal(ks[3], (B, C2, S), dtype=jnp.float32),
        "W1": jax.random.normal(ks[4], (MLP[0], IN_CH), dtype=jnp.float32) * 0.05,
        "b1": jax.random.normal(ks[5], (MLP[0],), dtype=jnp.float32) * 0.05,
        "g1": 1.0 + jax.random.normal(ks[6], (MLP[0],), dtype=jnp.float32) * 0.05,
        "be1": jax.random.normal(ks[7], (MLP[0],), dtype=jnp.float32) * 0.05,
        "W2": jax.random.normal(ks[8], (MLP[1], MLP[0]), dtype=jnp.float32) * 0.05,
        "b2": jax.random.normal(ks[9], (MLP[1],), dtype=jnp.float32) * 0.05,
        "g2": 1.0 + jax.random.normal(ks[10], (MLP[1],), dtype=jnp.float32) * 0.05,
        "be2": jax.random.normal(ks[11], (MLP[1],), dtype=jnp.float32) * 0.05,
    }
    return inp


def _bn_relu(x, g, be):
    # BatchNorm1d in training mode: batch statistics over (B, N) per channel
    mean = jnp.mean(x, axis=(0, 2), keepdims=True)
    var = jnp.mean((x - mean) ** 2, axis=(0, 2), keepdims=True)
    xn = (x - mean) / jnp.sqrt(var + 1e-5)
    return jax.nn.relu(xn * g[None, :, None] + be[None, :, None])


def reference(xyz1, xyz2, points1, points2, W1, b1, g1, be1, W2, b2, g2, be2):
    x1 = jnp.transpose(xyz1, (0, 2, 1))  # (B, N, 3)
    x2 = jnp.transpose(xyz2, (0, 2, 1))  # (B, S, 3)
    dist = (-2.0 * jnp.einsum('bnc,bmc->bnm', x1, x2)
            + jnp.sum(x1 ** 2, axis=-1)[:, :, None]
            + jnp.sum(x2 ** 2, axis=-1)[:, None, :])  # (B, N, S)
    idx = jnp.argsort(dist, axis=-1)[:, :, :3]  # (B, N, 3) nearest 3
    d3 = jnp.take_along_axis(dist, idx, axis=-1)  # (B, N, 3)
    dist_recip = 1.0 / (d3 + 1e-8)
    weight = dist_recip / jnp.sum(dist_recip, axis=2, keepdims=True)  # (B, N, 3)
    p2t = jnp.transpose(points2, (0, 2, 1))  # (B, S, C2)
    neighbor_feats = jax.vmap(lambda p, i: p[i])(p2t, idx)  # (B, N, 3, C2)
    interpolated = jnp.transpose(
        jnp.sum(neighbor_feats * weight[..., None], axis=2), (0, 2, 1))  # (B, C2, N)
    new_points = jnp.concatenate([points1, interpolated], axis=1)  # (B, C1+C2, N)
    h = jnp.einsum('oc,bcn->bon', W1, new_points) + b1[None, :, None]
    h = _bn_relu(h, g1, be1)
    h = jnp.einsum('oc,bcn->bon', W2, h) + b2[None, :, None]
    h = _bn_relu(h, g2, be2)
    return h

if __name__ == "__main__":
    import jax
    _d = setup_inputs()
    print(jax.jit(kernel)(*tuple(_d.values())))

</pallas_src>

<mosaic_0001>
module attributes {stable_mosaic.version = 14 : i64} {
  func.func @_k0(%arg0: i32, %arg1: memref<1x1024x512xf32, #tpu.memory_space<vmem>>, %arg2: memref<512x256xf32, #tpu.memory_space<vmem>>, %arg3: memref<1x1024x256xf32, #tpu.memory_space<vmem>>) attributes {dimension_semantics = [#tpu.dimension_semantics<arbitrary>], iteration_bounds = array<i64: 8>, scalar_prefetch = 0 : i64, scratch_operands = 0 : i64, tpu.core_type = #tpu.core_type<tc>, window_params = [{transform_indices = @transform_0, window_bounds = array<i64: 1, 1024, 512>}, {pipeline_mode = #tpu.pipeline_mode<synchronous>, transform_indices = @transform_1, window_bounds = array<i64: 512, 256>}, {transform_indices = @transform_2, window_bounds = array<i64: 1, 1024, 256>}]} {
    %get3A = arith.constant 0 : index
    %get3A_0 = arith.constant 0 : index
    %get3A_1 = arith.constant 0 : index
    %get3A_2 = vector.load %arg1[%get3A, %get3A_0, %get3A_1] : memref<1x1024x512xf32, #tpu.memory_space<vmem>>, vector<1x1024x512xf32>
    %get3A_3 = vector.shape_cast %get3A_2 : vector<1x1024x512xf32> to vector<1024x512xf32>
    %get3A_4 = arith.constant 0 : index
    %get3A_5 = arith.constant 0 : index
    %get3A_6 = vector.load %arg2[%get3A_4, %get3A_5] : memref<512x256xf32, #tpu.memory_space<vmem>>, vector<512x256xf32>
    %dot_general3A = arith.constant dense<0.000000e+00> : vector<1024x256xf32>
    %dot_general3A_7 = tpu.matmul %get3A_3, %get3A_6, %dot_general3A {dimension_numbers = #tpu.dot_dimension_numbers<[1], [0], [0], [1], [0, 0, 1, 1], [], []>, precision = #tpu.contract_precision<fp32>, transpose_lhs_hint = false} : vector<1024x512xf32>, vector<512x256xf32>, vector<1024x256xf32> -> vector<1024x256xf32>
    %swap3A = arith.constant 0 : index
    %swap3A_8 = arith.constant 0 : index
    %swap3A_9 = arith.constant 0 : index
    %swap3A_10 = vector.load %arg3[%swap3A, %swap3A_8, %swap3A_9] : memref<1x1024x256xf32, #tpu.memory_space<vmem>>, vector<1x1024x256xf32>
    %swap3A_11 = vector.shape_cast %swap3A_10 : vector<1x1024x256xf32> to vector<1024x256xf32>
    %swap3A_12 = vector.shape_cast %dot_general3A_7 : vector<1024x256xf32> to vector<1x1024x256xf32>
    tpu.vector_store %arg3[%swap3A, %swap3A_8, %swap3A_9], %swap3A_12 {strides = array<i32>} : memref<1x1024x256xf32, #tpu.memory_space<vmem>>, vector<1x1024x256xf32>,
    return
  }
  func.func @transform_0(%arg0: i32) -> (i32, i32, i32) {
    %c0_i32 = arith.constant 0 : i32
    %c0_i32_0 = arith.constant 0 : i32
    %c0_i32_1 = arith.constant 0 : i32
    return %arg0, %c0_i32, %c0_i32_0 : i32, i32, i32
  }
  func.func @transform_1(%arg0: i32) -> (i32, i32) {
    %c0_i32 = arith.constant 0 : i32
    %c0_i32_0 = arith.constant 0 : i32
    %c0_i32_1 = arith.constant 0 : i32
    return %c0_i32, %c0_i32_0 : i32, i32
  }
  func.func @transform_2(%arg0: i32) -> (i32, i32, i32) {
    %c0_i32 = arith.constant 0 : i32
    %c0_i32_0 = arith.constant 0 : i32
    %c0_i32_1 = arith.constant 0 : i32
    return %arg0, %c0_i32, %c0_i32_0 : i32, i32, i32
  }
}

module attributes {stable_mosaic.version = 14 : i64} {
  func.func @_ka(%arg0: i32, %arg1: i32, %arg2: memref<1x512x8xf32, #tpu.memory_space<vmem>>, %arg3: memref<1x8x1024xf32, #tpu.memory_space<vmem>>, %arg4: memref<1x512x256xf32, #tpu.memory_space<vmem>>, %arg5: memref<1x1024x256xf32, #tpu.memory_space<vmem>>, %arg6: memref<256x256xf32, #tpu.memory_space<vmem>>, %arg7: memref<1x256xf32, #tpu.memory_space<vmem>>, %arg8: memref<1x512x256xf32, #tpu.memory_space<vmem>>, %arg9: memref<8x256xf32, #tpu.memory_space<vmem>>, %arg10: memref<8x256xf32, #tpu.memory_space<vmem>>) attributes {dimension_semantics = [#tpu.dimension_semantics<arbitrary>, #tpu.dimension_semantics<arbitrary>], iteration_bounds = array<i64: 8, 8>, scalar_prefetch = 0 : i64, scratch_operands = 0 : i64, tpu.core_type = #tpu.core_type<tc>, window_params = [{transform_indices = @transform_0, window_bounds = array<i64: 1, 512, 8>}, {transform_indices = @transform_1, window_bounds = array<i64: 1, 8, 1024>}, {transform_indices = @transform_2, window_bounds = array<i64: 1, 512, 256>}, {transform_indices = @transform_3, window_bounds = array<i64: 1, 1024, 256>}, {pipeline_mode = #tpu.pipeline_mode<synchronous>, transform_indices = @transform_4, window_bounds = array<i64: 256, 256>}, {pipeline_mode = #tpu.pipeline_mode<synchronous>, transform_indices = @transform_5, window_bounds = array<i64: 1, 256>}, {transform_indices = @transform_6, window_bounds = array<i64: 1, 512, 256>}, {pipeline_mode = #tpu.pipeline_mode<synchronous>, transform_indices = @transform_7, window_bounds = array<i64: 8, 256>}, {pipeline_mode = #tpu.pipeline_mode<synchronous>, transform_indices = @transform_8, window_bounds = array<i64: 8, 256>}]} {
    %get3A = arith.constant 0 : index
    %get3A_0 = arith.constant 0 : index
    %get3A_1 = arith.constant 0 : index
    %get3A_2 = vector.load %arg2[%get3A, %get3A_0, %get3A_1] : memref<1x512x8xf32, #tpu.memory_space<vmem>>, vector<1x512x8xf32>
    %get3A_3 = vector.shape_cast %get3A_2 : vector<1x512x8xf32> to vector<512x8xf32>
    %get3A_4 = arith.constant 0 : index
    %get3A_5 = arith.constant 0 : index
    %get3A_6 = arith.constant 0 : index
    %get3A_7 = vector.load %arg3[%get3A_4, %get3A_5, %get3A_6] : memref<1x8x1024xf32, #tpu.memory_space<vmem>>, vector<1x8x1024xf32>
    %get3A_8 = vector.shape_cast %get3A_7 : vector<1x8x1024xf32> to vector<8x1024xf32>
    %convert_element_type3A = arith.truncf %get3A_3 : vector<512x8xf32> to vector<512x8xbf16>
    %convert_element_type3A_9 = arith.truncf %get3A_8 : vector<8x1024xf32> to vector<8x1024xbf16>
    %dot_general3A = arith.constant dense<0.000000e+00> : vector<512x1024xf32>
    %dot_general3A_10 = tpu.matmul %convert_element_type3A, %convert_element_type3A_9, %dot_general3A {dimension_numbers = #tpu.dot_dimension_numbers<[1], [0], [0], [1], [0, 0, 1, 1], [], []>, transpose_lhs_hint = false} : vector<512x8xbf16>, vector<8x1024xbf16>, vector<512x1024xf32> -> vector<512x1024xf32>
    %mul3A = arith.mulf %get3A_3, %get3A_3 : vector<512x8xf32>
    %reduce_sum3A = arith.constant dense<0.000000e+00> : vector<512xf32>
    %reduce_sum3A_11 = vector.multi_reduction <add>, %mul3A, %reduce_sum3A [1] : vector<512x8xf32> to vector<512xf32>
    %broadcast_in_dim3A = vector.shape_cast %reduce_sum3A_11 : vector<512xf32> to vector<512x1xf32>
    %mul3A_12 = arith.mulf %get3A_8, %get3A_8 : vector<8x1024xf32>
    %reduce_sum3A_13 = arith.constant dense<0.000000e+00> : vector<1024xf32>
    %reduce_sum3A_14 = vector.multi_reduction <add>, %mul3A_12, %reduce_sum3A_13 [0] : vector<8x1024xf32> to vector<1024xf32>
    %broadcast_in_dim3A_15 = vector.shape_cast %reduce_sum3A_14 : vector<1024xf32> to vector<1x1024xf32>
    %mul3A_16 = arith.constant -2.000000e+00 : f32
    %mul3A_17 = vector.broadcast %mul3A_16 : f32 to vector<512x1024xf32>
    %mul3A_18 = arith.mulf %dot_general3A_10, %mul3A_17 : vector<512x1024xf32>
    %add3A = vector.broadcast %broadcast_in_dim3A : vector<512x1xf32> to vector<512x1024xf32>
    %add3A_19 = arith.addf %mul3A_18, %add3A : vector<512x1024xf32>
    %add3A_20 = vector.broadcast %broadcast_in_dim3A_15 : vector<1x1024xf32> to vector<512x1024xf32>
    %add3A_21 = arith.addf %add3A_19, %add3A_20 : vector<512x1024xf32>
    %bitcast_convert_type3A = tpu.bitcast %add3A_21 : vector<512x1024xf32> -> vector<512x1024xi32>
    %shift_right_arithmetic3A = arith.constant 31 : i32
    %shift_right_arithmetic3A_22 = vector.broadcast %shift_right_arithmetic3A : i32 to vector<512x1024xi32>
    %shift_right_arithmetic3A_23 = arith.shrsi %bitcast_convert_type3A, %shift_right_arithmetic3A_22 : vector<512x1024xi32>
    %and3A = arith.constant 2147483647 : i32
    %and3A_24 = vector.broadcast %and3A : i32 to vector<512x1024xi32>
    %and3A_25 = arith.andi %shift_right_arithmetic3A_23, %and3A_24 : vector<512x1024xi32>
    %xor3A = arith.xori %bitcast_convert_type3A, %and3A_25 : vector<512x1024xi32>
    %iota3A = tpu.iota {dimensions = array<i32: 1>} : vector<512x1024xi32>
    %and3A_26 = arith.constant -1024 : i32
    %and3A_27 = vector.broadcast %and3A_26 : i32 to vector<512x1024xi32>
    %and3A_28 = arith.andi %xor3A, %and3A_27 : vector<512x1024xi32>
    %or3A = arith.ori %and3A_28, %iota3A : vector<512x1024xi32>
    %reduce_min3A = arith.constant dense<2147483647> : vector<512xi32>
    %reduce_min3A_29 = vector.multi_reduction <minsi>, %or3A, %reduce_min3A [1] : vector<512x1024xi32> to vector<512xi32>
    %broadcast_in_dim3A_30 = vector.shape_cast %reduce_min3A_29 : vector<512xi32> to vector<512x1xi32>
    %eq3A = vector.broadcast %broadcast_in_dim3A_30 : vector<512x1xi32> to vector<512x1024xi32>
    %eq3A_31 = arith.cmpi eq, %or3A, %eq3A : vector<512x1024xi32>
    %jit3A = arith.constant 3.000000e+38 : f32
    %broadcast_in_dim3A_32 = vector.broadcast %jit3A : f32 to vector<512x1024xf32>
    %select_n3A = arith.select %eq3A_31, %add3A_21, %broadcast_in_dim3A_32 : vector<512x1024xi1>, vector<512x1024xf32>
    %reduce_min3A_33 = arith.constant dense<0x7F800000> : vector<512xf32>
    %reduce_min3A_34 = vector.multi_reduction <minimumf>, %select_n3A, %reduce_min3A_33 [1] : vector<512x1024xf32> to vector<512xf32>
    %broadcast_in_dim3A_35 = vector.shape_cast %reduce_min3A_34 : vector<512xf32> to vector<512x1xf32>
    %jit3A_36 = arith.constant 2147483647 : i32
    %broadcast_in_dim3A_37 = vector.broadcast %jit3A_36 : i32 to vector<512x1024xi32>
    %select_n3A_38 = arith.select %eq3A_31, %broadcast_in_dim3A_37, %or3A : vector<512x1024xi1>, vector<512x1024xi32>
    %reduce_min3A_39 = arith.constant dense<2147483647> : vector<512xi32>
    %reduce_min3A_40 = vector.multi_reduction <minsi>, %select_n3A_38, %reduce_min3A_39 [1] : vector<512x1024xi32> to vector<512xi32>
    %broadcast_in_dim3A_41 = vector.shape_cast %reduce_min3A_40 : vector<512xi32> to vector<512x1xi32>
    %eq3A_42 = vector.broadcast %broadcast_in_dim3A_41 : vector<512x1xi32> to vector<512x1024xi32>
    %eq3A_43 = arith.cmpi eq, %or3A, %eq3A_42 : vector<512x1024xi32>
    %jit3A_44 = arith.constant 3.000000e+38 : f32
    %broadcast_in_dim3A_45 = vector.broadcast %jit3A_44 : f32 to vector<512x1024xf32>
    %select_n3A_46 = arith.select %eq3A_43, %add3A_21, %broadcast_in_dim3A_45 : vector<512x1024xi1>, vector<512x1024xf32>
    %reduce_min3A_47 = arith.constant dense<0x7F800000> : vector<512xf32>
    %reduce_min3A_48 = vector.multi_reduction <minimumf>, %select_n3A_46, %reduce_min3A_47 [1] : vector<512x1024xf32> to vector<512xf32>
    %broadcast_in_dim3A_49 = vector.shape_cast %reduce_min3A_48 : vector<512xf32> to vector<512x1xf32>
    %jit3A_50 = arith.constant 2147483647 : i32
    %broadcast_in_dim3A_51 = vector.broadcast %jit3A_50 : i32 to vector<512x1024xi32>
    %select_n3A_52 = arith.select %eq3A_43, %broadcast_in_dim3A_51, %select_n3A_38 : vector<512x1024xi1>, vector<512x1024xi32>
    %reduce_min3A_53 = arith.constant dense<2147483647> : vector<512xi32>
    %reduce_min3A_54 = vector.multi_reduction <minsi>, %select_n3A_52, %reduce_min3A_53 [1] : vector<512x1024xi32> to vector<512xi32>
    %broadcast_in_dim3A_55 = vector.shape_cast %reduce_min3A_54 : vector<512xi32> to vector<512x1xi32>
    %eq3A_56 = vector.broadcast %broadcast_in_dim3A_55 : vector<512x1xi32> to vector<512x1024xi32>
    %eq3A_57 = arith.cmpi eq, %or3A, %eq3A_56 : vector<512x1024xi32>
    %jit3A_58 = arith.constant 3.000000e+38 : f32
    %broadcast_in_dim3A_59 = vector.broadcast %jit3A_58 : f32 to vector<512x1024xf32>
    %select_n3A_60 = arith.select %eq3A_57, %add3A_21, %broadcast_in_dim3A_59 : vector<512x1024xi1>, vector<512x1024xf32>
    %reduce_min3A_61 = arith.constant dense<0x7F800000> : vector<512xf32>
    %reduce_min3A_62 = vector.multi_reduction <minimumf>, %select_n3A_60, %reduce_min3A_61 [1] : vector<512x1024xf32> to vector<512xf32>
    %broadcast_in_dim3A_63 = vector.shape_cast %reduce_min3A_62 : vector<512xf32> to vector<512x1xf32>
    %add3A_64 = arith.constant 9.99999993E-9 : f32
    %add3A_65 = vector.broadcast %add3A_64 : f32 to vector<512x1xf32>
    %add3A_66 = arith.addf %broadcast_in_dim3A_35, %add3A_65 : vector<512x1xf32>
    %div3A = arith.constant 1.000000e+00 : f32
    %div3A_67 = vector.broadcast %div3A : f32 to vector<512x1xf32>
    %div3A_68 = arith.divf %div3A_67, %add3A_66 : vector<512x1xf32>
    %add3A_69 = arith.constant 9.99999993E-9 : f32
    %add3A_70 = vector.broadcast %add3A_69 : f32 to vector<512x1xf32>
    %add3A_71 = arith.addf %broadcast_in_dim3A_49, %add3A_70 : vector<512x1xf32>
    %div3A_72 = arith.constant 1.000000e+00 : f32
    %div3A_73 = vector.broadcast %div3A_72 : f32 to vector<512x1xf32>
    %div3A_74 = arith.divf %div3A_73, %add3A_71 : vector<512x1xf32>
    %add3A_75 = arith.constant 9.99999993E-9 : f32
    %add3A_76 = vector.broadcast %add3A_75 : f32 to vector<512x1xf32>
    %add3A_77 = arith.addf %broadcast_in_dim3A_63, %add3A_76 : vector<512x1xf32>
    %div3A_78 = arith.constant 1.000000e+00 : f32
    %div3A_79 = vector.broadcast %div3A_78 : f32 to vector<512x1xf32>
    %div3A_80 = arith.divf %div3A_79, %add3A_77 : vector<512x1xf32>
    %add3A_81 = arith.addf %div3A_68, %div3A_74 : vector<512x1xf32>
    %add3A_82 = arith.addf %add3A_81, %div3A_80 : vector<512x1xf32>
    %div3A_83 = arith.divf %div3A_68, %add3A_82 : vector<512x1xf32>
    %div3A_84 = arith.divf %div3A_74, %add3A_82 : vector<512x1xf32>
    %div3A_85 = arith.divf %div3A_80, %add3A_82 : vector<512x1xf32>
    %eq3A_86 = vector.broadcast %broadcast_in_dim3A_30 : vector<512x1xi32> to vector<512x1024xi32>
    %eq3A_87 = arith.cmpi eq, %or3A, %eq3A_86 : vector<512x1024xi32>
    %jit3A_88 = arith.constant 0.000000e+00 : f32
    %broadcast_in_dim3A_89 = vector.shape_cast %div3A_83 : vector<512x1xf32> to vector<512x1xf32>
    %broadcast_in_dim3A_90 = vector.broadcast %broadcast_in_dim3A_89 : vector<512x1xf32> to vector<512x1024xf32>
    %broadcast_in_dim3A_91 = vector.broadcast %jit3A_88 : f32 to vector<512x1024xf32>
    %select_n3A_92 = arith.select %eq3A_87, %broadcast_in_dim3A_90, %broadcast_in_dim3A_91 : vector<512x1024xi1>, vector<512x1024xf32>
    %eq3A_93 = vector.broadcast %broadcast_in_dim3A_41 : vector<512x1xi32> to vector<512x1024xi32>
    %eq3A_94 = arith.cmpi eq, %or3A, %eq3A_93 : vector<512x1024xi32>
    %jit3A_95 = arith.constant 0.000000e+00 : f32
    %broadcast_in_dim3A_96 = vector.shape_cast %div3A_84 : vector<512x1xf32> to vector<512x1xf32>
    %broadcast_in_dim3A_97 = vector.broadcast %broadcast_in_dim3A_96 : vector<512x1xf32> to vector<512x1024xf32>
    %broadcast_in_dim3A_98 = vector.broadcast %jit3A_95 : f32 to vector<512x1024xf32>
    %select_n3A_99 = arith.select %eq3A_94, %broadcast_in_dim3A_97, %broadcast_in_dim3A_98 : vector<512x1024xi1>, vector<512x1024xf32>
    %add3A_100 = arith.addf %select_n3A_92, %select_n3A_99 : vector<512x1024xf32>
    %eq3A_101 = vector.broadcast %broadcast_in_dim3A_55 : vector<512x1xi32> to vector<512x1024xi32>
    %eq3A_102 = arith.cmpi eq, %or3A, %eq3A_101 : vector<512x1024xi32>
    %jit3A_103 = arith.constant 0.000000e+00 : f32
    %broadcast_in_dim3A_104 = vector.shape_cast %div3A_85 : vector<512x1xf32> to vector<512x1xf32>
    %broadcast_in_dim3A_105 = vector.broadcast %broadcast_in_dim3A_104 : vector<512x1xf32> to vector<512x1024xf32>
    %broadcast_in_dim3A_106 = vector.broadcast %jit3A_103 : f32 to vector<512x1024xf32>
    %select_n3A_107 = arith.select %eq3A_102, %broadcast_in_dim3A_105, %broadcast_in_dim3A_106 : vector<512x1024xi1>, vector<512x1024xf32>
    %add3A_108 = arith.addf %add3A_100, %select_n3A_107 : vector<512x1024xf32>
    %convert_element_type3A_109 = arith.truncf %add3A_108 : vector<512x1024xf32> to vector<512x1024xbf16>
    %get3A_110 = arith.constant 0 : index
    %get3A_111 = arith.constant 0 : index
    %get3A_112 = arith.constant 0 : index
    %get3A_113 = vector.load %arg5[%get3A_110, %get3A_111, %get3A_112] : memref<1x1024x256xf32, #tpu.memory_space<vmem>>, vector<1x1024x256xf32>
    %get3A_114 = vector.shape_cast %get3A_113 : vector<1x1024x256xf32> to vector<1024x256xf32>
    %convert_element_type3A_115 = arith.truncf %get3A_114 : vector<1024x256xf32> to vector<1024x256xbf16>
    %dot_general3A_116 = arith.constant dense<0.000000e+00> : vector<512x256xf32>
    %dot_general3A_117 = tpu.matmul %convert_element_type3A_109, %convert_element_type3A_115, %dot_general3A_116 {dimension_numbers = #tpu.dot_dimension_numbers<[1], [0], [0], [1], [0, 0, 1, 1], [], []>, transpose_lhs_hint = false} : vector<512x1024xbf16>, vector<1024x256xbf16>, vector<512x256xf32> -> vector<512x256xf32>
    %get3A_118 = arith.constant 0 : index
    %get3A_119 = arith.constant 0 : index
    %get3A_120 = arith.constant 0 : index
    %get3A_121 = vector.load %arg4[%get3A_118, %get3A_119, %get3A_120] : memref<1x512x256xf32, #tpu.memory_space<vmem>>, vector<1x512x256xf32>
    %get3A_122 = vector.shape_cast %get3A_121 : vector<1x512x256xf32> to vector<512x256xf32>
    %convert_element_type3A_123 = arith.truncf %get3A_122 : vector<512x256xf32> to vector<512x256xbf16>
    %get3A_124 = arith.constant 0 : index
    %get3A_125 = arith.constant 0 : index
    %get3A_126 = vector.load %arg6[%get3A_124, %get3A_125] : memref<256x256xf32, #tpu.memory_space<vmem>>, vector<256x256xf32>
    %convert_element_type3A_127 = arith.truncf %get3A_126 : vector<256x256xf32> to vector<256x256xbf16>
    %dot_general3A_128 = arith.constant dense<0.000000e+00> : vector<512x256xf32>
    %dot_general3A_129 = tpu.matmul %convert_element_type3A_123, %convert_element_type3A_127, %dot_general3A_128 {dimension_numbers = #tpu.dot_dimension_numbers<[1], [0], [0], [1], [0, 0, 1, 1], [], []>, transpose_lhs_hint = false} : vector<512x256xbf16>, vector<256x256xbf16>, vector<512x256xf32> -> vector<512x256xf32>
    %add3A_130 = arith.addf %dot_general3A_117, %dot_general3A_129 : vector<512x256xf32>
    %get3A_131 = arith.constant 0 : index
    %get3A_132 = arith.constant 0 : index
    %get3A_133 = vector.load %arg7[%get3A_131, %get3A_132] : memref<1x256xf32, #tpu.memory_space<vmem>>, vector<1x256xf32>
    %add3A_134 = vector.broadcast %get3A_133 : vector<1x256xf32> to vector<512x256xf32>
    %add3A_135 = arith.addf %add3A_130, %add3A_134 : vector<512x256xf32>
    %swap3A = arith.constant 0 : index
    %swap3A_136 = arith.constant 0 : index
    %swap3A_137 = arith.constant 0 : index
    %swap3A_138 = vector.load %arg8[%swap3A, %swap3A_136, %swap3A_137] : memref<1x512x256xf32, #tpu.memory_space<vmem>>, vector<1x512x256xf32>
    %swap3A_139 = vector.shape_cast %swap3A_138 : vector<1x512x256xf32> to vector<512x256xf32>
    %swap3A_140 = vector.shape_cast %add3A_135 : vector<512x256xf32> to vector<1x512x256xf32>
    tpu.vector_store %arg8[%swap3A, %swap3A_136, %swap3A_137], %swap3A_140 {strides = array<i32>} : memref<1x512x256xf32, #tpu.memory_space<vmem>>, vector<1x512x256xf32>,
    %eq3A_141 = arith.constant 0 : i32
    %eq3A_142 = arith.cmpi eq, %arg0, %eq3A_141 : i32
    %eq3A_143 = arith.constant 0 : i32
    %eq3A_144 = arith.cmpi eq, %arg1, %eq3A_143 : i32
    %and3A_145 = arith.andi %eq3A_142, %eq3A_144 : i1
    %convert_element_type3A_146 = arith.extui %and3A_145 : i1 to i32
    %cond3A = arith.constant 0 : i32
    %cond3A_147 = arith.cmpi ne, %convert_element_type3A_146, %cond3A : i32
    scf.if %cond3A_147 {
      %broadcast_in_dim3A_167 = arith.constant 0.000000e+00 : f32
      %broadcast_in_dim3A_168 = vector.broadcast %broadcast_in_dim3A_167 : f32 to vector<8x256xf32>
      %swap3A_169 = arith.constant 0 : index
      %swap3A_170 = arith.constant 0 : index
      %swap3A_171 = vector.load %arg9[%swap3A_169, %swap3A_170] : memref<8x256xf32, #tpu.memory_space<vmem>>, vector<8x256xf32>
      tpu.vector_store %arg9[%swap3A_169, %swap3A_170], %broadcast_in_dim3A_168 {strides = array<i32>} : memref<8x256xf32, #tpu.memory_space<vmem>>, vector<8x256xf32>,
      %broadcast_in_dim3A_172 = arith.constant 0.000000e+00 : f32
      %broadcast_in_dim3A_173 = vector.broadcast %broadcast_in_dim3A_172 : f32 to vector<8x256xf32>
      %swap3A_174 = arith.constant 0 : index
      %swap3A_175 = arith.constant 0 : index
      %swap3A_176 = vector.load %arg10[%swap3A_174, %swap3A_175] : memref<8x256xf32, #tpu.memory_space<vmem>>, vector<8x256xf32>
      tpu.vector_store %arg10[%swap3A_174, %swap3A_175], %broadcast_in_dim3A_173 {strides = array<i32>} : memref<8x256xf32, #tpu.memory_space<vmem>>, vector<8x256xf32>,
    } else {
    }
    %reshape3A = vector.shape_cast %add3A_135 : vector<512x256xf32> to vector<64x8x256xf32>
    %get3A_148 = arith.constant 0 : index
    %get3A_149 = arith.constant 0 : index
    %get3A_150 = vector.load %arg9[%get3A_148, %get3A_149] : memref<8x256xf32, #tpu.memory_space<vmem>>, vector<8x256xf32>
    %reduce_sum3A_151 = arith.constant dense<0.000000e+00> : vector<8x256xf32>
    %reduce_sum3A_152 = vector.multi_reduction <add>, %reshape3A, %reduce_sum3A_151 [0] : vector<64x8x256xf32> to vector<8x256xf32>
    %add3A_153 = arith.addf %get3A_150, %reduce_sum3A_152 : vector<8x256xf32>
    %swap3A_154 = arith.constant 0 : index
    %swap3A_155 = arith.constant 0 : index
    %swap3A_156 = vector.load %arg9[%swap3A_154, %swap3A_155] : memref<8x256xf32, #tpu.memory_space<vmem>>, vector<8x256xf32>
    tpu.vector_store %arg9[%swap3A_154, %swap3A_155], %add3A_153 {strides = array<i32>} : memref<8x256xf32, #tpu.memory_space<vmem>>, vector<8x256xf32>,
    %get3A_157 = arith.constant 0 : index
    %get3A_158 = arith.constant 0 : index
    %get3A_159 = vector.load %arg10[%get3A_157, %get3A_158] : memref<8x256xf32, #tpu.memory_space<vmem>>, vector<8x256xf32>
    %mul3A_160 = arith.mulf %reshape3A, %reshape3A : vector<64x8x256xf32>
    %reduce_sum3A_161 = arith.constant dense<0.000000e+00> : vector<8x256xf32>
    %reduce_sum3A_162 = vector.multi_reduction <add>, %mul3A_160, %reduce_sum3A_161 [0] : vector<64x8x256xf32> to vector<8x256xf32>
    %add3A_163 = arith.addf %get3A_159, %reduce_sum3A_162 : vector<8x256xf32>
    %swap3A_164 = arith.constant 0 : index
    %swap3A_165 = arith.constant 0 : index
    %swap3A_166 = vector.load %arg10[%swap3A_164, %swap3A_165] : memref<8x256xf32, #tpu.memory_space<vmem>>, vector<8x256xf32>
    tpu.vector_store %arg10[%swap3A_164, %swap3A_165], %add3A_163 {strides = array<i32>} : memref<8x256xf32, #tpu.memory_space<vmem>>, vector<8x256xf32>,
    return
  }
  func.func @transform_0(%arg0: i32, %arg1: i32) -> (i32, i32, i32) {
    %c0_i32 = arith.constant 0 : i32
    %c0_i32_0 = arith.constant 0 : i32
    return %arg0, %arg1, %c0_i32 : i32, i32, i32
  }
  func.func @transform_1(%arg0: i32, %arg1: i32) -> (i32, i32, i32) {
    %c0_i32 = arith.constant 0 : i32
    %c0_i32_0 = arith.constant 0 : i32
    %c0_i32_1 = arith.constant 0 : i32
    return %arg0, %c0_i32, %c0_i32_0 : i32, i32, i32
  }
  func.func @transform_2(%arg0: i32, %arg1: i32) -> (i32, i32, i32) {
    %c0_i32 = arith.constant 0 : i32
    %c0_i32_0 = arith.constant 0 : i32
    return %arg0, %arg1, %c0_i32 : i32, i32, i32
  }
  func.func @transform_3(%arg0: i32, %arg1: i32) -> (i32, i32, i32) {
    %c0_i32 = arith.constant 0 : i32
    %c0_i32_0 = arith.constant 0 : i32
    %c0_i32_1 = arith.constant 0 : i32
    return %arg0, %c0_i32, %c0_i32_0 : i32, i32, i32
  }
  func.func @transform_4(%arg0: i32, %arg1: i32) -> (i32, i32) {
    %c0_i32 = arith.constant 0 : i32
    %c0_i32_0 = arith.constant 0 : i32
    %c0_i32_1 = arith.constant 0 : i32
    return %c0_i32, %c0_i32_0 : i32, i32
  }
  func.func @transform_5(%arg0: i32, %arg1: i32) -> (i32, i32) {
    %c0_i32 = arith.constant 0 : i32
    %c0_i32_0 = arith.constant 0 : i32
    %c0_i32_1 = arith.constant 0 : i32
    return %c0_i32, %c0_i32_0 : i32, i32
  }
  func.func @transform_6(%arg0: i32, %arg1: i32) -> (i32, i32, i32) {
    %c0_i32 = arith.constant 0 : i32
    %c0_i32_0 = arith.constant 0 : i32
    return %arg0, %arg1, %c0_i32 : i32, i32, i32
  }
  func.func @transform_7(%arg0: i32, %arg1: i32) -> (i32, i32) {
    %c0_i32 = arith.constant 0 : i32
    %c0_i32_0 = arith.constant 0 : i32
    %c0_i32_1 = arith.constant 0 : i32
    return %c0_i32, %c0_i32_0 : i32, i32
  }
  func.func @transform_8(%arg0: i32, %arg1: i32) -> (i32, i32) {
    %c0_i32 = arith.constant 0 : i32
    %c0_i32_0 = arith.constant 0 : i32
    %c0_i32_1 = arith.constant 0 : i32
    return %c0_i32, %c0_i32_0 : i32, i32
  }
}

module attributes {stable_mosaic.version = 14 : i64} {
  func.func @_kb(%arg0: i32, %arg1: i32, %arg2: memref<1x512x256xf32, #tpu.memory_space<vmem>>, %arg3: memref<8x256xf32, #tpu.memory_space<vmem>>, %arg4: memref<8x256xf32, #tpu.memory_space<vmem>>, %arg5: memref<1x256xf32, #tpu.memory_space<vmem>>, %arg6: memref<1x256xf32, #tpu.memory_space<vmem>>, %arg7: memref<256x256xf32, #tpu.memory_space<vmem>>, %arg8: memref<1x256xf32, #tpu.memory_space<vmem>>, %arg9: memref<1x512x256xf32, #tpu.memory_space<vmem>>, %arg10: memref<8x256xf32, #tpu.memory_space<vmem>>, %arg11: memref<8x256xf32, #tpu.memory_space<vmem>>) attributes {dimension_semantics = [#tpu.dimension_semantics<arbitrary>, #tpu.dimension_semantics<arbitrary>], iteration_bounds = array<i64: 8, 8>, scalar_prefetch = 0 : i64, scratch_operands = 0 : i64, tpu.core_type = #tpu.core_type<tc>, window_params = [{transform_indices = @transform_0, window_bounds = array<i64: 1, 512, 256>}, {pipeline_mode = #tpu.pipeline_mode<synchronous>, transform_indices = @transform_1, window_bounds = array<i64: 8, 256>}, {pipeline_mode = #tpu.pipeline_mode<synchronous>, transform_indices = @transform_2, window_bounds = array<i64: 8, 256>}, {pipeline_mode = #tpu.pipeline_mode<synchronous>, transform_indices = @transform_3, window_bounds = array<i64: 1, 256>}, {pipeline_mode = #tpu.pipeline_mode<synchronous>, transform_indices = @transform_4, window_bounds = array<i64: 1, 256>}, {pipeline_mode = #tpu.pipeline_mode<synchronous>, transform_indices = @transform_5, window_bounds = array<i64: 256, 256>}, {pipeline_mode = #tpu.pipeline_mode<synchronous>, transform_indices = @transform_6, window_bounds = array<i64: 1, 256>}, {transform_indices = @transform_7, window_bounds = array<i64: 1, 512, 256>}, {pipeline_mode = #tpu.pipeline_mode<synchronous>, transform_indices = @transform_8, window_bounds = array<i64: 8, 256>}, {pipeline_mode = #tpu.pipeline_mode<synchronous>, transform_indices = @transform_9, window_bounds = array<i64: 8, 256>}]} {
    %get3A = arith.constant 0 : index
    %get3A_0 = arith.constant 0 : index
    %get3A_1 = vector.load %arg3[%get3A, %get3A_0] : memref<8x256xf32, #tpu.memory_space<vmem>>, vector<8x256xf32>
    %reduce_sum3A = arith.constant dense<0.000000e+00> : vector<256xf32>
    %reduce_sum3A_2 = vector.multi_reduction <add>, %get3A_1, %reduce_sum3A [0] : vector<8x256xf32> to vector<256xf32>
    %broadcast_in_dim3A = vector.shape_cast %reduce_sum3A_2 : vector<256xf32> to vector<1x256xf32>
    %mul3A = arith.constant 3.05175781E-5 : f32
    %mul3A_3 = vector.broadcast %mul3A : f32 to vector<1x256xf32>
    %mul3A_4 = arith.mulf %broadcast_in_dim3A, %mul3A_3 : vector<1x256xf32>
    %get3A_5 = arith.constant 0 : index
    %get3A_6 = arith.constant 0 : index
    %get3A_7 = vector.load %arg4[%get3A_5, %get3A_6] : memref<8x256xf32, #tpu.memory_space<vmem>>, vector<8x256xf32>
    %reduce_sum3A_8 = arith.constant dense<0.000000e+00> : vector<256xf32>
    %reduce_sum3A_9 = vector.multi_reduction <add>, %get3A_7, %reduce_sum3A_8 [0] : vector<8x256xf32> to vector<256xf32>
    %broadcast_in_dim3A_10 = vector.shape_cast %reduce_sum3A_9 : vector<256xf32> to vector<1x256xf32>
    %mul3A_11 = arith.constant 3.05175781E-5 : f32
    %mul3A_12 = vector.broadcast %mul3A_11 : f32 to vector<1x256xf32>
    %mul3A_13 = arith.mulf %broadcast_in_dim3A_10, %mul3A_12 : vector<1x256xf32>
    %mul3A_14 = arith.mulf %mul3A_4, %mul3A_4 : vector<1x256xf32>
    %sub3A = arith.subf %mul3A_13, %mul3A_14 : vector<1x256xf32>
    %get3A_15 = arith.constant 0 : index
    %get3A_16 = arith.constant 0 : index
    %get3A_17 = vector.load %arg5[%get3A_15, %get3A_16] : memref<1x256xf32, #tpu.memory_space<vmem>>, vector<1x256xf32>
    %add3A = arith.constant 9.99999974E-6 : f32
    %add3A_18 = vector.broadcast %add3A : f32 to vector<1x256xf32>
    %add3A_19 = arith.addf %sub3A, %add3A_18 : vector<1x256xf32>
    %rsqrt3A = math.rsqrt %add3A_19 : vector<1x256xf32>
    %mul3A_20 = arith.mulf %get3A_17, %rsqrt3A : vector<1x256xf32>
    %get3A_21 = arith.constant 0 : index
    %get3A_22 = arith.constant 0 : index
    %get3A_23 = vector.load %arg6[%get3A_21, %get3A_22] : memref<1x256xf32, #tpu.memory_space<vmem>>, vector<1x256xf32>
    %mul3A_24 = arith.mulf %mul3A_4, %mul3A_20 : vector<1x256xf32>
    %sub3A_25 = arith.subf %get3A_23, %mul3A_24 : vector<1x256xf32>
    %get3A_26 = arith.constant 0 : index
    %get3A_27 = arith.constant 0 : index
    %get3A_28 = arith.constant 0 : index
    %get3A_29 = vector.load %arg2[%get3A_26, %get3A_27, %get3A_28] : memref<1x512x256xf32, #tpu.memory_space<vmem>>, vector<1x512x256xf32>
    %get3A_30 = vector.shape_cast %get3A_29 : vector<1x512x256xf32> to vector<512x256xf32>
    %mul3A_31 = vector.broadcast %mul3A_20 : vector<1x256xf32> to vector<512x256xf32>
    %mul3A_32 = arith.mulf %get3A_30, %mul3A_31 : vector<512x256xf32>
    %add3A_33 = vector.broadcast %sub3A_25 : vector<1x256xf32> to vector<512x256xf32>
    %add3A_34 = arith.addf %mul3A_32, %add3A_33 : vector<512x256xf32>
    %max3A = arith.constant 0.000000e+00 : f32
    %max3A_35 = vector.broadcast %max3A : f32 to vector<512x256xf32>
    %max3A_36 = arith.maximumf %add3A_34, %max3A_35 : vector<512x256xf32>
    %convert_element_type3A = arith.truncf %max3A_36 : vector<512x256xf32> to vector<512x256xbf16>
    %get3A_37 = arith.constant 0 : index
    %get3A_38 = arith.constant 0 : index
    %get3A_39 = vector.load %arg7[%get3A_37, %get3A_38] : memref<256x256xf32, #tpu.memory_space<vmem>>, vector<256x256xf32>
    %convert_element_type3A_40 = arith.truncf %get3A_39 : vector<256x256xf32> to vector<256x256xbf16>
    %dot_general3A = arith.constant dense<0.000000e+00> : vector<512x256xf32>
    %dot_general3A_41 = tpu.matmul %convert_element_type3A, %convert_element_type3A_40, %dot_general3A {dimension_numbers = #tpu.dot_dimension_numbers<[1], [0], [0], [1], [0, 0, 1, 1], [], []>, transpose_lhs_hint = false} : vector<512x256xbf16>, vector<256x256xbf16>, vector<512x256xf32> -> vector<512x256xf32>
    %get3A_42 = arith.constant 0 : index
    %get3A_43 = arith.constant 0 : index
    %get3A_44 = vector.load %arg8[%get3A_42, %get3A_43] : memref<1x256xf32, #tpu.memory_space<vmem>>, vector<1x256xf32>
    %add3A_45 = vector.broadcast %get3A_44 : vector<1x256xf32> to vector<512x256xf32>
    %add3A_46 = arith.addf %dot_general3A_41, %add3A_45 : vector<512x256xf32>
    %swap3A = arith.constant 0 : index
    %swap3A_47 = arith.constant 0 : index
    %swap3A_48 = arith.constant 0 : index
    %swap3A_49 = vector.load %arg9[%swap3A, %swap3A_47, %swap3A_48] : memref<1x512x256xf32, #tpu.memory_space<vmem>>, vector<1x512x256xf32>
    %swap3A_50 = vector.shape_cast %swap3A_49 : vector<1x512x256xf32> to vector<512x256xf32>
    %swap3A_51 = vector.shape_cast %add3A_46 : vector<512x256xf32> to vector<1x512x256xf32>
    tpu.vector_store %arg9[%swap3A, %swap3A_47, %swap3A_48], %swap3A_51 {strides = array<i32>} : memref<1x512x256xf32, #tpu.memory_space<vmem>>, vector<1x512x256xf32>,
    %eq3A = arith.constant 0 : i32
    %eq3A_52 = arith.cmpi eq, %arg0, %eq3A : i32
    %eq3A_53 = arith.constant 0 : i32
    %eq3A_54 = arith.cmpi eq, %arg1, %eq3A_53 : i32
    %and3A = arith.andi %eq3A_52, %eq3A_54 : i1
    %convert_element_type3A_55 = arith.extui %and3A : i1 to i32
    %cond3A = arith.constant 0 : i32
    %cond3A_56 = arith.cmpi ne, %convert_element_type3A_55, %cond3A : i32
    scf.if %cond3A_56 {
      %broadcast_in_dim3A_76 = arith.constant 0.000000e+00 : f32
      %broadcast_in_dim3A_77 = vector.broadcast %broadcast_in_dim3A_76 : f32 to vector<8x256xf32>
      %swap3A_78 = arith.constant 0 : index
      %swap3A_79 = arith.constant 0 : index
      %swap3A_80 = vector.load %arg10[%swap3A_78, %swap3A_79] : memref<8x256xf32, #tpu.memory_space<vmem>>, vector<8x256xf32>
      tpu.vector_store %arg10[%swap3A_78, %swap3A_79], %broadcast_in_dim3A_77 {strides = array<i32>} : memref<8x256xf32, #tpu.memory_space<vmem>>, vector<8x256xf32>,
      %broadcast_in_dim3A_81 = arith.constant 0.000000e+00 : f32
      %broadcast_in_dim3A_82 = vector.broadcast %broadcast_in_dim3A_81 : f32 to vector<8x256xf32>
      %swap3A_83 = arith.constant 0 : index
      %swap3A_84 = arith.constant 0 : index
      %swap3A_85 = vector.load %arg11[%swap3A_83, %swap3A_84] : memref<8x256xf32, #tpu.memory_space<vmem>>, vector<8x256xf32>
      tpu.vector_store %arg11[%swap3A_83, %swap3A_84], %broadcast_in_dim3A_82 {strides = array<i32>} : memref<8x256xf32, #tpu.memory_space<vmem>>, vector<8x256xf32>,
    } else {
    }
    %reshape3A = vector.shape_cast %add3A_46 : vector<512x256xf32> to vector<64x8x256xf32>
    %get3A_57 = arith.constant 0 : index
    %get3A_58 = arith.constant 0 : index
    %get3A_59 = vector.load %arg10[%get3A_57, %get3A_58] : memref<8x256xf32, #tpu.memory_space<vmem>>, vector<8x256xf32>
    %reduce_sum3A_60 = arith.constant dense<0.000000e+00> : vector<8x256xf32>
    %reduce_sum3A_61 = vector.multi_reduction <add>, %reshape3A, %reduce_sum3A_60 [0] : vector<64x8x256xf32> to vector<8x256xf32>
    %add3A_62 = arith.addf %get3A_59, %reduce_sum3A_61 : vector<8x256xf32>
    %swap3A_63 = arith.constant 0 : index
    %swap3A_64 = arith.constant 0 : index
    %swap3A_65 = vector.load %arg10[%swap3A_63, %swap3A_64] : memref<8x256xf32, #tpu.memory_space<vmem>>, vector<8x256xf32>
    tpu.vector_store %arg10[%swap3A_63, %swap3A_64], %add3A_62 {strides = array<i32>} : memref<8x256xf32, #tpu.memory_space<vmem>>, vector<8x256xf32>,
    %get3A_66 = arith.constant 0 : index
    %get3A_67 = arith.constant 0 : index
    %get3A_68 = vector.load %arg11[%get3A_66, %get3A_67] : memref<8x256xf32, #tpu.memory_space<vmem>>, vector<8x256xf32>
    %mul3A_69 = arith.mulf %reshape3A, %reshape3A : vector<64x8x256xf32>
    %reduce_sum3A_70 = arith.constant dense<0.000000e+00> : vector<8x256xf32>
    %reduce_sum3A_71 = vector.multi_reduction <add>, %mul3A_69, %reduce_sum3A_70 [0] : vector<64x8x256xf32> to vector<8x256xf32>
    %add3A_72 = arith.addf %get3A_68, %reduce_sum3A_71 : vector<8x256xf32>
    %swap3A_73 = arith.constant 0 : index
    %swap3A_74 = arith.constant 0 : index
    %swap3A_75 = vector.load %arg11[%swap3A_73, %swap3A_74] : memref<8x256xf32, #tpu.memory_space<vmem>>, vector<8x256xf32>
    tpu.vector_store %arg11[%swap3A_73, %swap3A_74], %add3A_72 {strides = array<i32>} : memref<8x256xf32, #tpu.memory_space<vmem>>, vector<8x256xf32>,
    return
  }
  func.func @transform_0(%arg0: i32, %arg1: i32) -> (i32, i32, i32) {
    %c0_i32 = arith.constant 0 : i32
    %c0_i32_0 = arith.constant 0 : i32
    return %arg0, %arg1, %c0_i32 : i32, i32, i32
  }
  func.func @transform_1(%arg0: i32, %arg1: i32) -> (i32, i32) {
    %c0_i32 = arith.constant 0 : i32
    %c0_i32_0 = arith.constant 0 : i32
    %c0_i32_1 = arith.constant 0 : i32
    return %c0_i32, %c0_i32_0 : i32, i32
  }
  func.func @transform_2(%arg0: i32, %arg1: i32) -> (i32, i32) {
    %c0_i32 = arith.constant 0 : i32
    %c0_i32_0 = arith.constant 0 : i32
    %c0_i32_1 = arith.constant 0 : i32
    return %c0_i32, %c0_i32_0 : i32, i32
  }
  func.func @transform_3(%arg0: i32, %arg1: i32) -> (i32, i32) {
    %c0_i32 = arith.constant 0 : i32
    %c0_i32_0 = arith.constant 0 : i32
    %c0_i32_1 = arith.constant 0 : i32
    return %c0_i32, %c0_i32_0 : i32, i32
  }
  func.func @transform_4(%arg0: i32, %arg1: i32) -> (i32, i32) {
    %c0_i32 = arith.constant 0 : i32
    %c0_i32_0 = arith.constant 0 : i32
    %c0_i32_1 = arith.constant 0 : i32
    return %c0_i32, %c0_i32_0 : i32, i32
  }
  func.func @transform_5(%arg0: i32, %arg1: i32) -> (i32, i32) {
    %c0_i32 = arith.constant 0 : i32
    %c0_i32_0 = arith.constant 0 : i32
    %c0_i32_1 = arith.constant 0 : i32
    return %c0_i32, %c0_i32_0 : i32, i32
  }
  func.func @transform_6(%arg0: i32, %arg1: i32) -> (i32, i32) {
    %c0_i32 = arith.constant 0 : i32
    %c0_i32_0 = arith.constant 0 : i32
    %c0_i32_1 = arith.constant 0 : i32
    return %c0_i32, %c0_i32_0 : i32, i32
  }
  func.func @transform_7(%arg0: i32, %arg1: i32) -> (i32, i32, i32) {
    %c0_i32 = arith.constant 0 : i32
    %c0_i32_0 = arith.constant 0 : i32
    return %arg0, %arg1, %c0_i32 : i32, i32, i32
  }
  func.func @transform_8(%arg0: i32, %arg1: i32) -> (i32, i32) {
    %c0_i32 = arith.constant 0 : i32
    %c0_i32_0 = arith.constant 0 : i32
    %c0_i32_1 = arith.constant 0 : i32
    return %c0_i32, %c0_i32_0 : i32, i32
  }
  func.func @transform_9(%arg0: i32, %arg1: i32) -> (i32, i32) {
    %c0_i32 = arith.constant 0 : i32
    %c0_i32_0 = arith.constant 0 : i32
    %c0_i32_1 = arith.constant 0 : i32
    return %c0_i32, %c0_i32_0 : i32, i32
  }
}

module attributes {stable_mosaic.version = 14 : i64} {
  func.func @_kc(%arg0: i32, %arg1: i32, %arg2: memref<1x512x256xf32, #tpu.memory_space<vmem>>, %arg3: memref<8x256xf32, #tpu.memory_space<vmem>>, %arg4: memref<8x256xf32, #tpu.memory_space<vmem>>, %arg5: memref<1x256xf32, #tpu.memory_space<vmem>>, %arg6: memref<1x256xf32, #tpu.memory_space<vmem>>, %arg7: memref<1x512x256xf32, #tpu.memory_space<vmem>>) attributes {dimension_semantics = [#tpu.dimension_semantics<arbitrary>, #tpu.dimension_semantics<arbitrary>], iteration_bounds = array<i64: 8, 8>, scalar_prefetch = 0 : i64, scratch_operands = 0 : i64, tpu.core_type = #tpu.core_type<tc>, window_params = [{transform_indices = @transform_0, window_bounds = array<i64: 1, 512, 256>}, {pipeline_mode = #tpu.pipeline_mode<synchronous>, transform_indices = @transform_1, window_bounds = array<i64: 8, 256>}, {pipeline_mode = #tpu.pipeline_mode<synchronous>, transform_indices = @transform_2, window_bounds = array<i64: 8, 256>}, {pipeline_mode = #tpu.pipeline_mode<synchronous>, transform_indices = @transform_3, window_bounds = array<i64: 1, 256>}, {pipeline_mode = #tpu.pipeline_mode<synchronous>, transform_indices = @transform_4, window_bounds = array<i64: 1, 256>}, {transform_indices = @transform_5, window_bounds = array<i64: 1, 512, 256>}]} {
    %get3A = arith.constant 0 : index
    %get3A_0 = arith.constant 0 : index
    %get3A_1 = vector.load %arg3[%get3A, %get3A_0] : memref<8x256xf32, #tpu.memory_space<vmem>>, vector<8x256xf32>
    %reduce_sum3A = arith.constant dense<0.000000e+00> : vector<256xf32>
    %reduce_sum3A_2 = vector.multi_reduction <add>, %get3A_1, %reduce_sum3A [0] : vector<8x256xf32> to vector<256xf32>
    %broadcast_in_dim3A = vector.shape_cast %reduce_sum3A_2 : vector<256xf32> to vector<1x256xf32>
    %mul3A = arith.constant 3.05175781E-5 : f32
    %mul3A_3 = vector.broadcast %mul3A : f32 to vector<1x256xf32>
    %mul3A_4 = arith.mulf %broadcast_in_dim3A, %mul3A_3 : vector<1x256xf32>
    %get3A_5 = arith.constant 0 : index
    %get3A_6 = arith.constant 0 : index
    %get3A_7 = vector.load %arg4[%get3A_5, %get3A_6] : memref<8x256xf32, #tpu.memory_space<vmem>>, vector<8x256xf32>
    %reduce_sum3A_8 = arith.constant dense<0.000000e+00> : vector<256xf32>
    %reduce_sum3A_9 = vector.multi_reduction <add>, %get3A_7, %reduce_sum3A_8 [0] : vector<8x256xf32> to vector<256xf32>
    %broadcast_in_dim3A_10 = vector.shape_cast %reduce_sum3A_9 : vector<256xf32> to vector<1x256xf32>
    %mul3A_11 = arith.constant 3.05175781E-5 : f32
    %mul3A_12 = vector.broadcast %mul3A_11 : f32 to vector<1x256xf32>
    %mul3A_13 = arith.mulf %broadcast_in_dim3A_10, %mul3A_12 : vector<1x256xf32>
    %mul3A_14 = arith.mulf %mul3A_4, %mul3A_4 : vector<1x256xf32>
    %sub3A = arith.subf %mul3A_13, %mul3A_14 : vector<1x256xf32>
    %get3A_15 = arith.constant 0 : index
    %get3A_16 = arith.constant 0 : index
    %get3A_17 = vector.load %arg5[%get3A_15, %get3A_16] : memref<1x256xf32, #tpu.memory_space<vmem>>, vector<1x256xf32>
    %add3A = arith.constant 9.99999974E-6 : f32
    %add3A_18 = vector.broadcast %add3A : f32 to vector<1x256xf32>
    %add3A_19 = arith.addf %sub3A, %add3A_18 : vector<1x256xf32>
    %rsqrt3A = math.rsqrt %add3A_19 : vector<1x256xf32>
    %mul3A_20 = arith.mulf %get3A_17, %rsqrt3A : vector<1x256xf32>
    %get3A_21 = arith.constant 0 : index
    %get3A_22 = arith.constant 0 : index
    %get3A_23 = vector.load %arg6[%get3A_21, %get3A_22] : memref<1x256xf32, #tpu.memory_space<vmem>>, vector<1x256xf32>
    %mul3A_24 = arith.mulf %mul3A_4, %mul3A_20 : vector<1x256xf32>
    %sub3A_25 = arith.subf %get3A_23, %mul3A_24 : vector<1x256xf32>
    %get3A_26 = arith.constant 0 : index
    %get3A_27 = arith.constant 0 : index
    %get3A_28 = arith.constant 0 : index
    %get3A_29 = vector.load %arg2[%get3A_26, %get3A_27, %get3A_28] : memref<1x512x256xf32, #tpu.memory_space<vmem>>, vector<1x512x256xf32>
    %get3A_30 = vector.shape_cast %get3A_29 : vector<1x512x256xf32> to vector<512x256xf32>
    %mul3A_31 = vector.broadcast %mul3A_20 : vector<1x256xf32> to vector<512x256xf32>
    %mul3A_32 = arith.mulf %get3A_30, %mul3A_31 : vector<512x256xf32>
    %add3A_33 = vector.broadcast %sub3A_25 : vector<1x256xf32> to vector<512x256xf32>
    %add3A_34 = arith.addf %mul3A_32, %add3A_33 : vector<512x256xf32>
    %max3A = arith.constant 0.000000e+00 : f32
    %max3A_35 = vector.broadcast %max3A : f32 to vector<512x256xf32>
    %max3A_36 = arith.maximumf %add3A_34, %max3A_35 : vector<512x256xf32>
    %swap3A = arith.constant 0 : index
    %swap3A_37 = arith.constant 0 : index
    %swap3A_38 = arith.constant 0 : index
    %swap3A_39 = vector.load %arg7[%swap3A, %swap3A_37, %swap3A_38] : memref<1x512x256xf32, #tpu.memory_space<vmem>>, vector<1x512x256xf32>
    %swap3A_40 = vector.shape_cast %swap3A_39 : vector<1x512x256xf32> to vector<512x256xf32>
    %swap3A_41 = vector.shape_cast %max3A_36 : vector<512x256xf32> to vector<1x512x256xf32>
    tpu.vector_store %arg7[%swap3A, %swap3A_37, %swap3A_38], %swap3A_41 {strides = array<i32>} : memref<1x512x256xf32, #tpu.memory_space<vmem>>, vector<1x512x256xf32>,
    return
  }
  func.func @transform_0(%arg0: i32, %arg1: i32) -> (i32, i32, i32) {
    %c0_i32 = arith.constant 0 : i32
    %c0_i32_0 = arith.constant 0 : i32
    return %arg0, %arg1, %c0_i32 : i32, i32, i32
  }
  func.func @transform_1(%arg0: i32, %arg1: i32) -> (i32, i32) {
    %c0_i32 = arith.constant 0 : i32
    %c0_i32_0 = arith.constant 0 : i32
    %c0_i32_1 = arith.constant 0 : i32
    return %c0_i32, %c0_i32_0 : i32, i32
  }
  func.func @transform_2(%arg0: i32, %arg1: i32) -> (i32, i32) {
    %c0_i32 = arith.constant 0 : i32
    %c0_i32_0 = arith.constant 0 : i32
    %c0_i32_1 = arith.constant 0 : i32
    return %c0_i32, %c0_i32_0 : i32, i32
  }
  func.func @transform_3(%arg0: i32, %arg1: i32) -> (i32, i32) {
    %c0_i32 = arith.constant 0 : i32
    %c0_i32_0 = arith.constant 0 : i32
    %c0_i32_1 = arith.constant 0 : i32
    return %c0_i32, %c0_i32_0 : i32, i32
  }
  func.func @transform_4(%arg0: i32, %arg1: i32) -> (i32, i32) {
    %c0_i32 = arith.constant 0 : i32
    %c0_i32_0 = arith.constant 0 : i32
    %c0_i32_1 = arith.constant 0 : i32
    return %c0_i32, %c0_i32_0 : i32, i32
  }
  func.func @transform_5(%arg0: i32, %arg1: i32) -> (i32, i32, i32) {
    %c0_i32 = arith.constant 0 : i32
    %c0_i32_0 = arith.constant 0 : i32
    return %arg0, %arg1, %c0_i32 : i32, i32, i32
  }
}

</mosaic_0001>

<sc_bundles>
// kernel: sparse-core-data-format-call.cloned.1.call-start
scs
called_computation_lowered:
.L_overlay_start_0:
0x0: {  	s2 =	sld [smem:$0x3FD9]  }
0x1: {  	s3 =	sld [smem:$0x3FFE];
	_ =	sdelay $0x1  }
0x2: {  	s1 =	srdreg.scid  }
0x3: {  	s0 =	sand.u32 $0x1, s1  }
0x4: {  	s18 =	sshll.u32 s0, $0xA;
	s2 =	sadd.s32 s3, s2  }
0x5: {  	s2 =	sadd.s32 s2, s18  }
0x6: {  	[smem:$0x3FBC] =	sst s2  }
0x7: {  	_ = 	snop  }
0x8: {  	s2 =	sld [smem:$0x3FD0];
	(tm) =	ssettm $0x1  }
0x9: {  	s19 =	sld [smem:$0x3FFB];
	_ =	sdelay $0x3  }
0xa: {  	_ =	strace s19  }
0xb: {  	s3 =	sld [smem:$0x3FFC];
	_ =	sdelay $0x3  }
0xc: {  	_ =	strace s3  }
0xd: {  	s3 =	sld [smem:$0x3FFD];
	_ =	sdelay $0x3  }
0xe: {  	_ =	strace s3  }
0xf: {  	_ =	strace $0x8FFFFFFF  }
0x10: {  	s20 =	sld [smem:$0x3FDB];
	_ =	sdelay $0x1  }
0x11: {  	s4 =	simm.s32 $_scs_section_size  }
0x12: {  	s5 =	simm.s32 $_size__tile_overlayer_lowered;
	s6 =	simm.s32 $_tile_overlayer_lowered  }
0x13: {  	s23 =	simm.s32 $0x1BFF;
	s22 =	sshll.u32 s6, $0x1;
	s3 =	sadd.s32 s4, s20  }
0x14: {  	s7 =	simm.s32 $0x0;
	s21 =	sshll.u32 s5, $0x1;
	s5 =	sadd.s32 s22, s3  }
0x15: {  	[timem:s7], [sflag:s23] =	dma.local [hbm:s5], s21  }
0x16: {  	_ =	swait.ge [sflag:s23], s21  }
0x17: {  	s4 =	ssub.s32 $0x0, s21;
	[sflag:s23] =	ssyncset.done $0x0  }
0x18: {  	[sflag:s23] =	ssyncadd.s32 s4;
	_ =	sdelay $0x1  }
0x19: {  	s24 =	simm.s32 $0x1B8B  }
0x1a: {  	_ =	swait.ge [sflag:s24], $0x1  }
0x1b: {  	[sflag:s24] =	ssyncset.done $0x0  }
0x1c: {  	s26 =	simm.s32 $0x1B8E;
	s25 =	sld [smem:$0x3FFE];
	[sflag:s24] =	ssyncadd.s32 $0xFFFFFFFF  }
0x1d: {  	s27 =	simm.s32 $execute0_lowered;
	[smem:$0x3FD2] =	sst s26  }
0x1e: {  	s5 =	sshll.u32 s27, $0x1;
	_ =	strace $0x80000046;
	[dreg:$0x1] =	wrdreg $0xFFFFFFFF  }
0x1f: {  	s28 =	simm.s32 $_size_execute0_lowered;
	s3 =	sadd.s32 s3, s5;
	[dreg:$0x0] =	wrdreg $0x0  }
0x20: {  	s5 =	sshll.u32 s28, $0x1;
	[dreg:$0x2] =	wrdreg s3  }
0x21: {  	[dreg:$0x3] =	wrdreg s5  }
0x22: {  	[dreg:$0x4] =	wrdreg $0xC0  }
0x23: {  	_ =	task [dreg:s7], $0x5FFFF  }
0x24: {  	[dreg:$0x1] =	wrdreg $0xFFFFFFFF  }
0x25: {  	[dreg:$0x0] =	wrdreg $0x60  }
0x26: {  	[dreg:$0x2] =	wrdreg s25  }
0x27: {  	[dreg:$0x3] =	wrdreg s2  }
0x28: {  	[dreg:$0x4] =	wrdreg $0x9  }
0x29: {  	_ =	task.clear_ibuf [dreg:s7], $0x5FFFF;
	_ =	strace $0x90000046  }
0x2a: {  	s29 =	simm.s32 $0x9;
	_ =	strace $0x80000048  }
0x2b: {  	_ =	swait.ge [sflag:s29], $0x1  }
0x2c: {  	[sflag:s29] =	ssyncadd.s32 $0xFFFFFFFF  }
0x2d: {  	_ =	strace $0x90000048  }
0x2e: {  	_ =	sfence  }
0x2f: {  	s30 =	sld [smem:$0x0];
	_ =	sdelay $0x2  }
0x30: {  	s31 =	sshll.u32 s1, $0xD;
	s1 =	sshrl.u32 s1, $0x2  }
0x31: {  	s3 =	sand.u32 $0x4000, s31;
	s1 =	sadd.s32 s1, s30  }
0x32: {  	s0 =	sor.u32 s3, s0;
	s1 =	sshll.u32 s1, $0x11  }
0x33: {  	s0 =	sor.u32 s1, s0  }
0x34: {  	s0 =	sadd.s32 $0x8F2B, s0  }
0x35: {  	[sflag:s0] =	ssyncadd.remote.s32 $0x1  }
0x36: {  	_ =	sfence.sel $0xFFFF  }
0x37: {  	[dreg:$0x0] =	wrdreg $0xFFFFFFFF;
	(pc) =	sbr.abs _section_cstart, $3  }
0x38: {  	[dreg:$0x1] =	wrdreg $0xFFFFFFFF  }
0x39: {  	_ =	task.clear_ibuf [dreg:s7], $0x2FFFF;
	_ =	strace $0x9FFFFFFF  }
0x3a: {  	(tm) =	ssettm $0x7FFFFFFF  }
0x3b: {  	_ =	shalt  }
tec
execute0_lowered:
.L_overlay_start_1:
0x0: {  	(tag) =	ssettag $0x1  }
0x1: {  	s0 =	stileid.u32;
	s4 =	rddreg [dreg:$0x0]  }
0x2: {  	s1 =	srdreg.scid;
	s2 =	rddreg [dreg:$0x1];
	s5 =	simm.s32 $0x1  }
0x3: {  	s8 =	simm.s32 $0x2;
	s16 =	simm.s32 $0x0;
	s14 =	simm.s32 $0x0  }
0x4: {  	s15 =	simm.s32 $0x0;
	s3 =	sshll.u32 s0, $0x4;
	s1 =	sshll.u32 s1, $0x8  }
0x5: {  	s10 =	simm.s32 $0x0;
	s13 =	simm.s32 $0x0;
	s3 =	sor.u32 s3, s1  }
0x6: {  	s1 =	rddreg [dreg:$0x2];
	_ =	strace $0x80000047;
	s3 =	sand.u32 $0x180, s3  }
0x7: {  	s4 =	sadd.s32 $0x2200, s4;
	[sflag:s5] =	ssyncpa.u1 $0x0;
	s6 =	ssub.s32 $0x1000, s3  }
.Ltmp0:
0x8: {  	[sflag:s8] =	ssyncpa.u1 $0x0;
	s7 =	sand.u32 $0x180, s6;
	(pc) =	sbr.rel .LBB1_1-.Ltmp0, $4  }
0x9: {  	s11 =	smov.u32 s3;
	p0 =	sne.s32 s7, $0x0;
	s7 =	simm.s32 $0x1  }
0xa: {  	s9 =	sshrl.u32 s6, $0x9;
	s6 =	sand.u32 $0x7, s0;
	s7 =	simm.s32 @!p0 $0x0  }
0xb: {  	s12 =	smov.u32 s6;
	p0 =	por $0x0, $0x0;
	s31 =	sadd.s32 s7, s9  }
0xc: {  	s9 =	simm.s32 $0x8000;
	s7 =	sshll.u32 s31, $0x1;
	s8 =	sshllo.u32 s31, $0x1  }
.LBB1_4:
0xd: {  	v5 =	vld [tilespmem:s19+$0xFFFFFFD0];
	[tilespmem:s20+$0x2040 ss:$0x81] =	vst.msk $0xffff, v1  }
0xe: {  	v58 =	vld [tilespmem:s19+$0xFFFFFFE0];
	[tilespmem:s20+$0x2850 ss:$0x81] =	vst.msk $0xffff, v2  }
0xf: {  	s21 =	sshra.s32 s21, $0x2;
	v59 =	vld [tilespmem:s19+$0xFFFFFFF0];
	[tilespmem:s20+$0x3060 ss:$0x81] =	vst.msk $0xffff, v3  }
0x10: {  	v60 =	vld [tilespmem:s19+$0x0];
	[tilespmem:s20+$0x0 ss:$0x81] =	vst.msk $0xffff, v0;
	s18 =	sadd.s32 s21, s18  }
0x11: {  	v61 =	vld [tilespmem:s19+$0x10];
	s26 =	sshll.u32 s16, $0xC;
	[tilespmem:s18+$0x3870 ss:$0x81] =	vst.msk $0xffff, v4  }
0x12: {  	v62 =	vld [tilespmem:s19+$0x20];
	s27 =	sand.u32 $0x78, s14;
	s22 =	sshll.u32 s14, $0x3;
	s29 =	sshll.u32 s16, $0x7;
	[tilespmem:s18+$0x810 ss:$0x81] =	vst.msk $0xffff, v5  }
0x13: {  	v63 =	vld [tilespmem:s19+$0xFFFFFFC0];
	s15 =	sshll.u32 s15, $0x11;
	s20 =	sand.u32 $0xF8000, s26;
	s28 =	sand.u32 $0xFFC00, s22;
	[tilespmem:s18+$0x1020 ss:$0x81] =	vst.msk $0xffff, v58  }
0x14: {  	s31 =	sand.u32 $0x7, s14;
	s22 =	sand.u32 $0xC00, s22;
	s19 =	sadd.s32 s28, s20;
	[tilespmem:s18+$0x1830 ss:$0x81] =	vst.msk $0xffff, v59  }
0x15: {  	s16 =	sand.u32 $0x380, s29;
	s30 =	sor.u32 s27, s22;
	s19 =	sshrl.u32 s19, $0x3;
	[tilespmem:s18+$0x2040 ss:$0x81] =	vst.msk $0xffff, v60  }
0x16: {  	s15 =	sadd.s32 s2, s15;
	s16 =	sor.u32 s16, s30;
	s19 =	sand.u32 $0x1FE00, s19;
	[tilespmem:s18+$0x2850 ss:$0x81] =	vst.msk $0xffff, v61  }
0x17: {  	s14 =	sshll.u32 s31, $0x12;
	s16 =	sshrl.u32 s16, $0x3;
	[tilespmem:s18+$0x3060 ss:$0x81] =	vst.msk $0xffff, v62;
	s15 =	sadd.s32 s19, s15  }
0x18: {  	s14 =	sor.u32 $0x400, s14;
	[tilespmem:s18+$0x0 ss:$0x81] =	vst.msk $0xffff, v63;
	s15 =	sadd.s32 s16, s15  }
0x19: {  	[hbm4b:s15+s14] =	stream.strided.scatter [tilespmem:s17], [sflag:$0x2], $0x4000, s9, s14, $0x20;
	[tilespmem:$0x10100] =	vst v63  }
.LBB1_5:
0x1a: {  	s17 =	sadd.s32 $0x80, s10  }
0x1b: {  	s14 =	sadd.s32 $0x200, s11;
	s18 =	smov.u32 s11;
	p2 =	sgt.s32 s17, $0xFF  }
0x1c: {  	s18 =	smov.u32 @p2 s14  }
0x1d: {  	s20 =	smov.u32 s12;
	s14 =	sadd.s32 $0x8, s12;
	p3 =	sgt.s32 s18, $0xFFF  }
0x1e: {  	s20 =	smov.u32 @p3 s14  }
0x1f: {  	s17 =	simm.s32 @p2 $0x0;
	p2 =	sgt.s32 s20, $0x7  }
0x20: {  	p1 =	slt.u32 s13, $0x2;
	s20 =	smov.u32 @p2 s6;
	p2 =	sne.s32 s13, s8  }
.Ltmp1:
0x21: {  	s19 =	simm.s32 @!p1 $0x2;
	(pc) =	sbr.rel @!p2 .LBB1_6-.Ltmp1, $4  }
0x22: {  	s16 =	smov.u32 s10;
	s15 =	smov.u32 s12;
	_ =	swait.ge @!p1 [sflag:s19], $0x4000  }
0x23: {  	p0 =	por !p0, !p0;
	[sflag:s19] =	ssyncset.done @!p1 $0x0;
	s10 =	smov.u32 s17  }
0x24: {  	s18 =	smov.u32 @p3 s3;
	s14 =	smov.u32 s11;
	[sflag:s19] =	ssyncadd.s32 @!p1 $0xFFFFC000  }
0x25: {  	s11 =	smov.u32 s18;
	s13 =	sadd.s32 $0x1, s13;
	s12 =	smov.u32 s20  }
.LBB1_1:
0x26: {  	p1 =	sge.u32 s13, s7  }
0x27: {  	s31 =	sadd.s32 $0xFFFFFFFF, s13;
	s17 =	sxor.u32 @!p1 $0xFFFFFFFF, s13  }
0x28: {  	s18 =	sshll.u32 @!p1 s11, $0x8;
	s19 =	sshll.u32 @!p1 s10, $0x3;
	s20 =	sshll.u32 @!p1 s11, $0x7  }
0x29: {  	s21 =	sand.u32 @!p1 $0x78, s10;
	s18 =	sand.u32 @!p1 $0xFF800, s18;
	s19 =	sand.u32 @!p1 $0xFFC00, s19  }
0x2a: {  	s17 =	sshll.u32 @!p1 s17, $0xE;
	s18 =	sadd.s32 @!p1 s18, s19;
	s19 =	sand.u32 @!p1 $0x300, s20  }
0x2b: {  	s17 =	sand.u32 @!p1 $0x4000, s17;
	s18 =	sor.u32 @!p1 s19, s18;
	s19 =	sand.u32 @!p1 $0x80, s20  }
0x2c: {  	s20 =	sshll.u32 @!p1 s12, $0x11;
	s19 =	sor.u32 @!p1 s21, s19;
	s18 =	sshrl.u32 @!p1 s18, $0x3  }
0x2d: {  	s20 =	sadd.s32 @!p1 s4, s20;
	s21 =	sand.u32 @!p1 $0x7, s10;
	s19 =	sshrl.u32 @!p1 s19, $0x3  }
0x2e: {  	s18 =	sand.u32 @!p1 $0x1FFE0, s18;
	s19 =	sadd.s32 @!p1 s19, s20;
	s20 =	sshll.u32 @!p1 s21, $0x12  }
0x2f: {  	s18 =	sadd.s32 @!p1 s18, s19;
	s19 =	sor.u32 @!p1 $0x400, s20;
	s20 =	simm.s32 @!p1 $0x800  }
0x30: {  	[tilespmem:s17], [sflag:$0x1] =	stream.strided.gather @!p1 [hbm4b:s18+s19], $0x4000, s20, s19, $0x38;
	[tilespmem:$0x10100] =	vst v63  }
0x31: {  	p1 =	sge.u32 s31, s7  }
.Ltmp2:
0x32: {  	_ = 	snop;
	(pc) =	sbr.rel @p1 .LBB1_5-.Ltmp2, $1  }
0x33: {  	_ =	sdelay $0x3  }
0x34: {  	s17 =	simm.s32 $0x1  }
0x35: {  	_ =	swait.ge [sflag:s5], $0x4000;
	s17 =	simm.s32 @!p0 $0x0  }
0x36: {  	[sflag:s5] =	ssyncset.done $0x0;
	s18 =	sshll.u32 s17, $0xE  }
0x37: {  	[sflag:s5] =	ssyncadd.s32 $0xFFFFC000;
	s19 =	sor.u32 $0x40, s18  }
0x38: {  	s17 =	smul.u32 $0x10200, s17;
	v0 =	vld [tilespmem:s19+$0x30]  }
0x39: {  	v3 =	vld [tilespmem:s19+$0xFFFFFFD0]  }
0x3a: {  	s17 =	sshrl.u32 s17, $0x2;
	v4 =	vld [tilespmem:s19+$0xFFFFFFE0]  }
0x3b: {  	v5 =	vld [tilespmem:s19+$0xFFFFFFF0];
	s18 =	sor.u32 $0x8000, s17  }
0x3c: {  	s31 =	sand.u32 $0x1, s13;
	v1 =	vld [tilespmem:s19+$0x0];
	s20 =	sadd.s32 $0x0, s18  }
0x3d: {  	v2 =	vld [tilespmem:s19+$0x10];
	s17 =	smul.u32 $0x10200, s31;
	[tilespmem:s20+$0x3870 ss:$0x81] =	vst.msk $0xffff, v0  }
0x3e: {  	[tilespmem:s20+$0x810 ss:$0x81] =	vst.msk $0xffff, v3;
	v3 =	vld [tilespmem:s19+$0x20]  }
0x3f: {  	s17 =	sshrl.u32 s17, $0x2;
	v0 =	vld [tilespmem:s19+$0xFFFFFFC0];
	[tilespmem:s20+$0x1020 ss:$0x81] =	vst.msk $0xffff, v4;
	s19 =	sadd.s32 $0x80, s19  }
0x40: {  	s21 =	simm.s32 $0x4;
	s22 =	simm.s32 $0x8;
	s17 =	sor.u32 $0x8000, s17;
	[tilespmem:s20+$0x1830 ss:$0x81] =	vst.msk $0xffff, v5;
	v4 =	vld [tilespmem:s19+$0x30]  }
.LBB1_3:
0x41: {  	p1 =	sne.s32 s22, $0x1FC;
	v5 =	vld [tilespmem:s19+$0xFFFFFFD0];
	[tilespmem:s20+$0x2040 ss:$0x81] =	vst.msk $0xffff, v1  }
0x42: {  	v6 =	vld [tilespmem:s19+$0xFFFFFFE0];
	[tilespmem:s20+$0x2850 ss:$0x81] =	vst.msk $0xffff, v2  }
0x43: {  	s23 =	sshra.s32 s21, $0x2;
	s21 =	smov.u32 s22;
	v7 =	vld [tilespmem:s19+$0xFFFFFFF0];
	[tilespmem:s20+$0x3060 ss:$0x81] =	vst.msk $0xffff, v3  }
.Ltmp3:
0x44: {  	v1 =	vld [tilespmem:s19+$0x0];
	[tilespmem:s20+$0x0 ss:$0x81] =	vst.msk $0xffff, v0;
	s20 =	sadd.s32 s23, s18;
	(pc) =	sbr.rel @p1 .LBB1_3-.Ltmp3, $4  }
0x45: {  	v2 =	vld [tilespmem:s19+$0x10];
	[tilespmem:s20+$0x3870 ss:$0x81] =	vst.msk $0xffff, v4  }
0x46: {  	[tilespmem:s20+$0x810 ss:$0x81] =	vst.msk $0xffff, v5;
	v3 =	vld [tilespmem:s19+$0x20]  }
0x47: {  	v0 =	vld [tilespmem:s19+$0xFFFFFFC0];
	[tilespmem:s20+$0x1020 ss:$0x81] =	vst.msk $0xffff, v6;
	s19 =	sadd.s32 $0x80, s19  }
0x48: {  	s22 =	sadd.s32 $0x4, s22;
	v4 =	vld [tilespmem:s19+$0x30];
	[tilespmem:s20+$0x1830 ss:$0x81] =	vst.msk $0xffff, v7  }
.Ltmp4:
0x49: {  	_ = 	snop;
	(pc) =	sbr.rel .LBB1_4-.Ltmp4, $1  }
0x4a: {  	_ =	sdelay $0x3  }
.LBB1_6:
0x4b: {  	_ =	sfence.sel $0x180000  }
0x4c: {  	s2 =	simm.s32 $0x1;
	[bflag:$0x0] =	sbarrier.arrive $0xFFFF  }
0x4d: {  	s31 =	simm.s32 $0x2;
	[sflag:s2] =	ssyncpa.u1 $0x1  }
0x4e: {  	[sflag:s31] =	ssyncpa.u1 $0x1  }
0x4f: {  	p0 =	sne.s32 s0, $0x0;
	_ =	strace $0x90000047  }
0x50: {  	s0 =	sadd.s32 @!p0 $0x100000, s1;
	[bflag:$0x2] =	sbarrier.arrive $0xFFFF  }
0x51: {  	[sflag:s0] =	ssyncadd.tile.s32 @!p0 $0x1;
	_ =	shalt  }
.Lfunc_end1:
_tile_overlayer_lowered:
.L_overlay_start_2:
0x52: {  	(tag) =	ssettag $0x2  }
0x53: {  	s0 =	rddreg [dreg:$0x0];
	s2 =	stileid.u32  }
0x54: {  	s1 =	rddreg [dreg:$0x1];
	p0 =	sne.s32 s2, $0x0  }
0x55: {  	s3 =	rddreg [dreg:$0x2];
	[bflag:$0x3] =	sbarrier.arrive $0xFFFF;
	s2 =	simm.s32 @!p0 $0x1C01  }
0x56: {  	[timem:s3], [sflag:s2] =	dma.local @!p0 [hbm:s0], s1  }
0x57: {  	s0 =	simm.s32 @!p0 $0x1  }
0x58: {  	_ =	swait.ge @!p0 [sflag:s0], s1  }
0x59: {  	s1 =	ssub.s32 @!p0 $0x0, s1;
	[sflag:s0] =	ssyncset.done @!p0 $0x0  }
0x5a: {  	[sflag:s0] =	ssyncadd.s32 @!p0 s1  }
0x5b: {  	[bflag:$0x3] =	sbarrier.arrive $0xFFFF  }
0x5c: {  	_ =	shalt  }

</sc_bundles>
